<compile_context>
chip_gen: v7x
topology: tpu7x:2x2x1
jax: 0.10.2.dev20260603
libtpu: 0.0.44.dev20260713+nightly
codegen_flags: <defaults>
</compile_context>

<pallas_src>
import functools

import jax
import jax.numpy as jnp
from jax import lax
from jax.experimental import pallas as pl
from jax.experimental.pallas import tpu as pltpu
from jax.experimental.pallas import tpu_sc as plsc

_TOP_L = 16
_NEG_DIAG = 1e9
_KNOCK = -3e9
_RB = 256

_SC_CH = 16384
_SC_CORES = 2
_SC_SUBCORES = 16


def _make_sc_zero_fill(total):
    nw = _SC_CORES * _SC_SUBCORES
    per_w = total // nw
    n_ch = per_w // _SC_CH
    mesh = plsc.VectorSubcoreMesh(
        core_axis_name="c", subcore_axis_name="s", num_cores=_SC_CORES,
        num_subcores=_SC_SUBCORES,
    )

    @functools.partial(
        pl.kernel,
        mesh=mesh,
        out_type=jax.ShapeDtypeStruct((total,), jnp.float32),
        scratch_types=[pltpu.VMEM((_SC_CH,), jnp.float32)],
    )
    def zero_fill(out_hbm, zbuf):
        wid = lax.axis_index("s") * _SC_CORES + lax.axis_index("c")
        z16 = jnp.zeros((16,), jnp.float32)

        def init_body(i, carry):
            zbuf[pl.ds(i * 16, 16)] = z16
            return carry

        lax.fori_loop(0, _SC_CH // 16, init_body, 0)
        base = wid * per_w

        def copy_body(i, carry):
            pltpu.sync_copy(zbuf, out_hbm.at[pl.ds(base + i * _SC_CH, _SC_CH)])
            return carry

        lax.fori_loop(0, n_ch, copy_body, 0)

    return zero_fill


def _staggered_kernel(h_ref, a_ref, feat_ref):
    p = pl.program_id(0)
    j = pl.program_id(1)

    @pl.when((p < pl.num_programs(0) - 1) & (j == 0))
    def _compute_feat():
        h = h_ref[0]
        t = h.shape[0]
        feat = jnp.sum(h, axis=0) * (1.0 / t)
        norm = jnp.sqrt(jnp.sum(feat * feat, axis=1, keepdims=True))
        feat_ref[p % 2] = feat / (norm + 1e-6)

    @pl.when(p >= 1)
    def _topk():
        fall = feat_ref[(p - 1) % 2]
        frow = feat_ref[(p - 1) % 2, pl.ds(j * _RB, _RB), :]
        sim = jax.lax.dot_general(
            frow, fall,
            dimension_numbers=(((1,), (1,)), ((), ())),
            preferred_element_type=jnp.float32,
        )
        rb, n = sim.shape
        rows = jax.lax.broadcasted_iota(jnp.int32, (rb, n), 0) + j * rb
        cols = jax.lax.broadcasted_iota(jnp.int32, (rb, n), 1)
        cur = jnp.where(rows == cols, sim - _NEG_DIAG, sim)
        for _ in range(_TOP_L):
            m = jnp.max(cur, axis=1, keepdims=True)
            cur = jnp.where(cur >= m, _KNOCK, cur)
        a = jnp.where(cur == _KNOCK, sim, 0.0)
        s = jnp.sum(a, axis=1, keepdims=True)
        a_ref[0] = a * (1.0 / (s + 1e-12))


def kernel(H_temp, X_sp):
    B, T, N, d = H_temp.shape
    h_sem_flat = _make_sc_zero_fill(B * T * N * d)()
    nj = N // _RB
    a_sem = pl.pallas_call(
        _staggered_kernel,
        grid=(B + 1, nj),
        in_specs=[
            pl.BlockSpec(
                (1, T, N, d),
                lambda p, j: (jnp.minimum(p, 3), 0, 0, 0),
            )
        ],
        out_specs=pl.BlockSpec(
            (1, _RB, N),
            lambda p, j: (jnp.maximum(p - 1, 0), j, 0),
        ),
        out_shape=jax.ShapeDtypeStruct((B, N, N), jnp.float32),
        scratch_shapes=[pltpu.VMEM((2, N, d), jnp.float32)],
    )(H_temp)
    h_sem = h_sem_flat.reshape(B, T, N, d)
    return (h_sem, a_sem)

# --- scband reference (transcript-rebuilt; emitter-appended) ---
"""Pipeline reference for scband-simple-semantic-attention-3693671874910 (READ-ONLY COPY).

The authoritative reference and input builder live on the scoring server;
editing this copy changes nothing except your own understanding.
"""

import jax, jax.numpy as jnp
import numpy as np

TOP_L = 16

def setup_inputs(seed: int = 0) -> dict:
    key = jax.random.key(seed)
    k1, k2 = jax.random.split(key)
    H_temp = jax.random.normal(k1, (4, 12, 1024, 256), dtype=jnp.float32)
    X_sp = jax.random.normal(k2, (4, 1024, 64), dtype=jnp.float32)
    return {"H_temp": H_temp, "X_sp": X_sp}

def _topl_mask(sim, l):
    B, N, _ = sim.shape
    eye = jnp.eye(N, dtype=sim.dtype)[None, :, :]
    sim_m = sim - 1000000000.0 * eye
    _, idx = jax.lax.top_k(sim_m, l)  # [B, N, l]
    b_ids = jnp.broadcast_to(jnp.arange(B)[:, None, None], (B, N, l))
    n_ids = jnp.broadcast_to(jnp.arange(N)[None, :, None], (B, N, l))
    M = jnp.zeros_like(sim).at[b_ids, n_ids, idx].set(1.0)
    return M

def reference(H_temp, X_sp):
    B, T, N, d = H_temp.shape
    feat = H_temp.mean(axis=1)
    feat = feat / (jnp.linalg.norm(feat, axis=-1, keepdims=True) + 1e-06)
    sim = jnp.einsum('bnd,bmd->bnm', feat, feat)
    M = _topl_mask(sim, TOP_L)
    A_sem = sim * M
    A_sem = A_sem / (A_sem.sum(-1, keepdims=True) + 1e-12)
    H_sem = jnp.zeros_like(H_temp)
    return (H_sem, A_sem)

if __name__ == "__main__":
    import jax
    _d = setup_inputs()
    print(jax.jit(kernel)(*tuple(_d.values())))

</pallas_src>

<mosaic_0001>
#map = affine_map<(d0, d1) -> (0)>
module attributes {stable_mosaic.version = 14 : i64} {
  func.func @zero_fill(%arg0: i32, %arg1: i32, %arg2: memref<12582912xf32, #tpu.memory_space<hbm>>, %arg3: memref<16384xf32, #tpu.memory_space<vmem>>) attributes {dimension_semantics = [#tpu.dimension_semantics<core_parallel>, #tpu.dimension_semantics<subcore_parallel>], iteration_bounds = array<i64: 2, 16>, scalar_prefetch = 0 : i64, scratch_operands = 1 : i64, tpu.core_type = #tpu.core_type<sc_vector_subcore>, window_params = [{transform_indices = #map}]} {
    %mul3A = arith.constant 2 : i32
    %mul3A_0 = arith.muli %arg1, %mul3A : i32
    %add3A = arith.addi %mul3A_0, %arg0 : i32
    %broadcast_in_dim3A = arith.constant 0.000000e+00 : f32
    %broadcast_in_dim3A_1 = vector.broadcast %broadcast_in_dim3A : f32 to vector<16xf32>
    %scan3A = arith.constant 0 : i32
    %scan3A_2 = arith.constant 0 : i32
    %scan3A_3 = arith.constant 1024 : i32
    %scan3A_4 = arith.addi %scan3A_2, %scan3A_3 : i32
    %scan3A_5 = arith.constant 1 : i32
    scf.for %scan3A_15 = %scan3A_2 to %scan3A_4 step %scan3A_5  : i32 {
      %mul3A_16 = arith.constant 16 : i32
      %mul3A_17 = arith.muli %scan3A_15, %mul3A_16 : i32
      %swap3A = arith.index_cast %mul3A_17 : i32 to index
      %swap3A_18 = tpu.vector_load %arg3[%swap3A] {strides = array<i32>} : memref<16384xf32, #tpu.memory_space<vmem>>, vector<16xf32>,
      %swap3A_19 = vector.shape_cast %swap3A_18 : vector<16xf32> to vector<16xf32>
      %swap3A_20 = vector.shape_cast %broadcast_in_dim3A_1 : vector<16xf32> to vector<16xf32>
      tpu.vector_store %arg3[%swap3A], %swap3A_20 {strides = array<i32>} : memref<16384xf32, #tpu.memory_space<vmem>>, vector<16xf32>,
    }
    %scan3A_6 = arith.constant 1024 : i32
    %mul3A_7 = arith.constant 393216 : i32
    %mul3A_8 = arith.muli %add3A, %mul3A_7 : i32
    %scan3A_9 = arith.constant 0 : i32
    %scan3A_10 = arith.constant 0 : i32
    %scan3A_11 = arith.constant 24 : i32
    %scan3A_12 = arith.addi %scan3A_10, %scan3A_11 : i32
    %scan3A_13 = arith.constant 1 : i32
    scf.for %scan3A_15 = %scan3A_10 to %scan3A_12 step %scan3A_13  : i32 {
      %mul3A_16 = arith.constant 16384 : i32
      %mul3A_17 = arith.muli %scan3A_15, %mul3A_16 : i32
      %add3A_18 = arith.addi %mul3A_8, %mul3A_17 : i32
      "tpu.region"() ({
        %run_scoped3A = tpu.sem_alloc : memref<!tpu.dma_semaphore, #tpu.memory_space<semaphore_mem>>
        %dma_start3A = tpu.memref_slice %arg2[%add3A_18] : memref<12582912xf32, #tpu.memory_space<hbm>> -> memref<16384xf32, #tpu.memory_space<hbm>>
        %dma_start3A_19 = tpu.memref_slice %arg2[%add3A_18] : memref<12582912xf32, #tpu.memory_space<hbm>> -> memref<16384xf32, #tpu.memory_space<hbm>>
        tpu.enqueue_dma source(%arg3 : memref<16384xf32, #tpu.memory_space<vmem>>) target(%dma_start3A_19 : memref<16384xf32, #tpu.memory_space<hbm>>) target_semaphore(%run_scoped3A : memref<!tpu.dma_semaphore, #tpu.memory_space<semaphore_mem>>)
        %dma_wait3A = tpu.memref_slice %arg2[%add3A_18] : memref<12582912xf32, #tpu.memory_space<hbm>> -> memref<16384xf32, #tpu.memory_space<hbm>>
        %dma_wait3A_20 = tpu.memref_slice %arg2[%add3A_18] : memref<12582912xf32, #tpu.memory_space<hbm>> -> memref<16384xf32, #tpu.memory_space<hbm>>
        tpu.wait_dma2 semaphore(%run_scoped3A : memref<!tpu.dma_semaphore, #tpu.memory_space<semaphore_mem>>) src(%arg3 : memref<16384xf32, #tpu.memory_space<vmem>>) dst(%dma_wait3A_20 : memref<16384xf32, #tpu.memory_space<hbm>>)
        tpu.yield
      }) : () -> ()
    }
    %scan3A_14 = arith.constant 24 : i32
    return
  }
}

module attributes {stable_mosaic.version = 14 : i64} {
  func.func @_staggered_kernel(%arg0: i32, %arg1: i32, %arg2: memref<1x12x1024x256xf32, #tpu.memory_space<vmem>>, %arg3: memref<1x256x1024xf32, #tpu.memory_space<vmem>>, %arg4: memref<2x1024x256xf32, #tpu.memory_space<vmem>>) attributes {dimension_semantics = [#tpu.dimension_semantics<arbitrary>, #tpu.dimension_semantics<arbitrary>], iteration_bounds = array<i64: 5, 4>, scalar_prefetch = 0 : i64, scratch_operands = 1 : i64, tpu.core_type = #tpu.core_type<tc>, window_params = [{transform_indices = @transform_0, window_bounds = array<i64: 1, 12, 1024, 256>}, {transform_indices = @transform_1, window_bounds = array<i64: 1, 256, 1024>}]} {
    %lt3A = arith.constant 4 : i32
    %lt3A_0 = arith.cmpi slt, %arg0, %lt3A : i32
    %eq3A = arith.constant 0 : i32
    %eq3A_1 = arith.cmpi eq, %arg1, %eq3A : i32
    %and3A = arith.andi %lt3A_0, %eq3A_1 : i1
    %convert_element_type3A = arith.extui %and3A : i1 to i32
    %cond3A = arith.constant 0 : i32
    %cond3A_2 = arith.cmpi ne, %convert_element_type3A, %cond3A : i32
    scf.if %cond3A_2 {
      %get3A = arith.constant 0 : index
      %get3A_7 = arith.constant 0 : index
      %get3A_8 = arith.constant 0 : index
      %get3A_9 = arith.constant 0 : index
      %get3A_10 = vector.load %arg2[%get3A, %get3A_7, %get3A_8, %get3A_9] : memref<1x12x1024x256xf32, #tpu.memory_space<vmem>>, vector<1x12x1024x256xf32>
      %get3A_11 = vector.shape_cast %get3A_10 : vector<1x12x1024x256xf32> to vector<12x1024x256xf32>
      %reduce_sum3A = arith.constant dense<0.000000e+00> : vector<1024x256xf32>
      %reduce_sum3A_12 = vector.multi_reduction <add>, %get3A_11, %reduce_sum3A [0] : vector<12x1024x256xf32> to vector<1024x256xf32>
      %mul3A = arith.constant 0.0833333358 : f32
      %mul3A_13 = vector.broadcast %mul3A : f32 to vector<1024x256xf32>
      %mul3A_14 = arith.mulf %reduce_sum3A_12, %mul3A_13 : vector<1024x256xf32>
      %mul3A_15 = arith.mulf %mul3A_14, %mul3A_14 : vector<1024x256xf32>
      %reduce_sum3A_16 = arith.constant dense<0.000000e+00> : vector<1024xf32>
      %reduce_sum3A_17 = vector.multi_reduction <add>, %mul3A_15, %reduce_sum3A_16 [1] : vector<1024x256xf32> to vector<1024xf32>
      %broadcast_in_dim3A = vector.shape_cast %reduce_sum3A_17 : vector<1024xf32> to vector<1024x1xf32>
      %sqrt3A = math.sqrt %broadcast_in_dim3A : vector<1024x1xf32>
      %add3A = arith.constant 9.99999997E-7 : f32
      %add3A_18 = vector.broadcast %add3A : f32 to vector<1024x1xf32>
      %add3A_19 = arith.addf %sqrt3A, %add3A_18 : vector<1024x1xf32>
      %div3A = vector.broadcast %add3A_19 : vector<1024x1xf32> to vector<1024x256xf32>
      %div3A_20 = arith.divf %mul3A_14, %div3A : vector<1024x256xf32>
      %jit3A = arith.constant 2 : i32
      %eq3A_21 = arith.constant 0 : i32
      %eq3A_22 = arith.cmpi eq, %jit3A, %eq3A_21 : i32
      %jit3A_23 = arith.constant 1 : i32
      %select_n3A = arith.select %eq3A_22, %jit3A_23, %jit3A : i32
      %rem3A = arith.remsi %arg0, %select_n3A : i32
      %ne3A = arith.constant 0 : i32
      %ne3A_24 = arith.cmpi ne, %rem3A, %ne3A : i32
      %lt3A_25 = arith.constant 0 : i32
      %lt3A_26 = arith.cmpi slt, %rem3A, %lt3A_25 : i32
      %lt3A_27 = arith.constant 0 : i32
      %lt3A_28 = arith.cmpi slt, %select_n3A, %lt3A_27 : i32
      %ne3A_29 = arith.xori %lt3A_26, %lt3A_28 : i1
      %and3A_30 = arith.andi %ne3A_29, %ne3A_24 : i1
      %add3A_31 = arith.addi %rem3A, %select_n3A : i32
      %select_n3A_32 = arith.select %and3A_30, %add3A_31, %rem3A : i32
      %swap3A = arith.index_cast %select_n3A_32 : i32 to index
      %swap3A_33 = arith.constant 0 : index
      %swap3A_34 = arith.constant 0 : index
      %swap3A_35 = vector.load %arg4[%swap3A, %swap3A_33, %swap3A_34] : memref<2x1024x256xf32, #tpu.memory_space<vmem>>, vector<1x1024x256xf32>
      %swap3A_36 = vector.shape_cast %swap3A_35 : vector<1x1024x256xf32> to vector<1024x256xf32>
      %swap3A_37 = vector.shape_cast %div3A_20 : vector<1024x256xf32> to vector<1x1024x256xf32>
      tpu.vector_store %arg4[%swap3A, %swap3A_33, %swap3A_34], %swap3A_37 {strides = array<i32>} : memref<2x1024x256xf32, #tpu.memory_space<vmem>>, vector<1x1024x256xf32>,
    } else {
    }
    %ge3A = arith.constant 1 : i32
    %ge3A_3 = arith.cmpi sge, %arg0, %ge3A : i32
    %convert_element_type3A_4 = arith.extui %ge3A_3 : i1 to i32
    %cond3A_5 = arith.constant 0 : i32
    %cond3A_6 = arith.cmpi ne, %convert_element_type3A_4, %cond3A_5 : i32
    scf.if %cond3A_6 {
      %sub3A = arith.constant 1 : i32
      %sub3A_7 = arith.subi %arg0, %sub3A : i32
      %jit3A = arith.constant 2 : i32
      %eq3A_8 = arith.constant 0 : i32
      %eq3A_9 = arith.cmpi eq, %jit3A, %eq3A_8 : i32
      %jit3A_10 = arith.constant 1 : i32
      %select_n3A = arith.select %eq3A_9, %jit3A_10, %jit3A : i32
      %rem3A = arith.remsi %sub3A_7, %select_n3A : i32
      %ne3A = arith.constant 0 : i32
      %ne3A_11 = arith.cmpi ne, %rem3A, %ne3A : i32
      %lt3A_12 = arith.constant 0 : i32
      %lt3A_13 = arith.cmpi slt, %rem3A, %lt3A_12 : i32
      %lt3A_14 = arith.constant 0 : i32
      %lt3A_15 = arith.cmpi slt, %select_n3A, %lt3A_14 : i32
      %ne3A_16 = arith.xori %lt3A_13, %lt3A_15 : i1
      %and3A_17 = arith.andi %ne3A_16, %ne3A_11 : i1
      %add3A = arith.addi %rem3A, %select_n3A : i32
      %select_n3A_18 = arith.select %and3A_17, %add3A, %rem3A : i32
      %get3A = arith.index_cast %select_n3A_18 : i32 to index
      %get3A_19 = arith.constant 0 : index
      %get3A_20 = arith.constant 0 : index
      %get3A_21 = vector.load %arg4[%get3A, %get3A_19, %get3A_20] : memref<2x1024x256xf32, #tpu.memory_space<vmem>>, vector<1x1024x256xf32>
      %get3A_22 = vector.shape_cast %get3A_21 : vector<1x1024x256xf32> to vector<1024x256xf32>
      %sub3A_23 = arith.constant 1 : i32
      %sub3A_24 = arith.subi %arg0, %sub3A_23 : i32
      %jit3A_25 = arith.constant 2 : i32
      %eq3A_26 = arith.constant 0 : i32
      %eq3A_27 = arith.cmpi eq, %jit3A_25, %eq3A_26 : i32
      %jit3A_28 = arith.constant 1 : i32
      %select_n3A_29 = arith.select %eq3A_27, %jit3A_28, %jit3A_25 : i32
      %rem3A_30 = arith.remsi %sub3A_24, %select_n3A_29 : i32
      %ne3A_31 = arith.constant 0 : i32
      %ne3A_32 = arith.cmpi ne, %rem3A_30, %ne3A_31 : i32
      %lt3A_33 = arith.constant 0 : i32
      %lt3A_34 = arith.cmpi slt, %rem3A_30, %lt3A_33 : i32
      %lt3A_35 = arith.constant 0 : i32
      %lt3A_36 = arith.cmpi slt, %select_n3A_29, %lt3A_35 : i32
      %ne3A_37 = arith.xori %lt3A_34, %lt3A_36 : i1
      %and3A_38 = arith.andi %ne3A_37, %ne3A_32 : i1
      %add3A_39 = arith.addi %rem3A_30, %select_n3A_29 : i32
      %select_n3A_40 = arith.select %and3A_38, %add3A_39, %rem3A_30 : i32
      %mul3A = arith.constant 256 : i32
      %mul3A_41 = arith.muli %arg1, %mul3A : i32
      %get3A_42 = arith.index_cast %select_n3A_40 : i32 to index
      %get3A_43 = arith.index_cast %mul3A_41 : i32 to index
      %get3A_44 = arith.constant 0 : index
      %get3A_45 = vector.load %arg4[%get3A_42, %get3A_43, %get3A_44] : memref<2x1024x256xf32, #tpu.memory_space<vmem>>, vector<1x256x256xf32>
      %get3A_46 = vector.shape_cast %get3A_45 : vector<1x256x256xf32> to vector<256x256xf32>
      %dot_general3A = arith.constant dense<0.000000e+00> : vector<256x1024xf32>
      %dot_general3A_47 = tpu.matmul %get3A_46, %get3A_22, %dot_general3A {dimension_numbers = #tpu.dot_dimension_numbers<[1], [1], [0], [0], [0, 0, 1, 0], [], []>, transpose_lhs_hint = false} : vector<256x256xf32>, vector<1024x256xf32>, vector<256x1024xf32> -> vector<256x1024xf32>
      %iota3A = tpu.iota {dimensions = array<i32: 0>} : vector<256x1024xi32>
      %mul3A_48 = arith.constant 256 : i32
      %mul3A_49 = arith.muli %arg1, %mul3A_48 : i32
      %add3A_50 = vector.broadcast %mul3A_49 : i32 to vector<256x1024xi32>
      %add3A_51 = arith.addi %iota3A, %add3A_50 : vector<256x1024xi32>
      %iota3A_52 = tpu.iota {dimensions = array<i32: 1>} : vector<256x1024xi32>
      %eq3A_53 = arith.cmpi eq, %add3A_51, %iota3A_52 : vector<256x1024xi32>
      %sub3A_54 = arith.constant 1.000000e+09 : f32
      %sub3A_55 = vector.broadcast %sub3A_54 : f32 to vector<256x1024xf32>
      %sub3A_56 = arith.subf %dot_general3A_47, %sub3A_55 : vector<256x1024xf32>
      %select_n3A_57 = arith.select %eq3A_53, %sub3A_56, %dot_general3A_47 : vector<256x1024xi1>, vector<256x1024xf32>
      %reduce_max3A = arith.constant dense<0xFF800000> : vector<256xf32>
      %reduce_max3A_58 = vector.multi_reduction <maximumf>, %select_n3A_57, %reduce_max3A [1] : vector<256x1024xf32> to vector<256xf32>
      %broadcast_in_dim3A = vector.shape_cast %reduce_max3A_58 : vector<256xf32> to vector<256x1xf32>
      %ge3A_59 = vector.broadcast %broadcast_in_dim3A : vector<256x1xf32> to vector<256x1024xf32>
      %ge3A_60 = arith.cmpf oge, %select_n3A_57, %ge3A_59 : vector<256x1024xf32>
      %jit3A_61 = arith.constant -3.000000e+09 : f32
      %broadcast_in_dim3A_62 = vector.broadcast %jit3A_61 : f32 to vector<256x1024xf32>
      %select_n3A_63 = arith.select %ge3A_60, %broadcast_in_dim3A_62, %select_n3A_57 : vector<256x1024xi1>, vector<256x1024xf32>
      %reduce_max3A_64 = arith.constant dense<0xFF800000> : vector<256xf32>
      %reduce_max3A_65 = vector.multi_reduction <maximumf>, %select_n3A_63, %reduce_max3A_64 [1] : vector<256x1024xf32> to vector<256xf32>
      %broadcast_in_dim3A_66 = vector.shape_cast %reduce_max3A_65 : vector<256xf32> to vector<256x1xf32>
      %ge3A_67 = vector.broadcast %broadcast_in_dim3A_66 : vector<256x1xf32> to vector<256x1024xf32>
      %ge3A_68 = arith.cmpf oge, %select_n3A_63, %ge3A_67 : vector<256x1024xf32>
      %jit3A_69 = arith.constant -3.000000e+09 : f32
      %broadcast_in_dim3A_70 = vector.broadcast %jit3A_69 : f32 to vector<256x1024xf32>
      %select_n3A_71 = arith.select %ge3A_68, %broadcast_in_dim3A_70, %select_n3A_63 : vector<256x1024xi1>, vector<256x1024xf32>
      %reduce_max3A_72 = arith.constant dense<0xFF800000> : vector<256xf32>
      %reduce_max3A_73 = vector.multi_reduction <maximumf>, %select_n3A_71, %reduce_max3A_72 [1] : vector<256x1024xf32> to vector<256xf32>
      %broadcast_in_dim3A_74 = vector.shape_cast %reduce_max3A_73 : vector<256xf32> to vector<256x1xf32>
      %ge3A_75 = vector.broadcast %broadcast_in_dim3A_74 : vector<256x1xf32> to vector<256x1024xf32>
      %ge3A_76 = arith.cmpf oge, %select_n3A_71, %ge3A_75 : vector<256x1024xf32>
      %jit3A_77 = arith.constant -3.000000e+09 : f32
      %broadcast_in_dim3A_78 = vector.broadcast %jit3A_77 : f32 to vector<256x1024xf32>
      %select_n3A_79 = arith.select %ge3A_76, %broadcast_in_dim3A_78, %select_n3A_71 : vector<256x1024xi1>, vector<256x1024xf32>
      %reduce_max3A_80 = arith.constant dense<0xFF800000> : vector<256xf32>
      %reduce_max3A_81 = vector.multi_reduction <maximumf>, %select_n3A_79, %reduce_max3A_80 [1] : vector<256x1024xf32> to vector<256xf32>
      %broadcast_in_dim3A_82 = vector.shape_cast %reduce_max3A_81 : vector<256xf32> to vector<256x1xf32>
      %ge3A_83 = vector.broadcast %broadcast_in_dim3A_82 : vector<256x1xf32> to vector<256x1024xf32>
      %ge3A_84 = arith.cmpf oge, %select_n3A_79, %ge3A_83 : vector<256x1024xf32>
      %jit3A_85 = arith.constant -3.000000e+09 : f32
      %broadcast_in_dim3A_86 = vector.broadcast %jit3A_85 : f32 to vector<256x1024xf32>
      %select_n3A_87 = arith.select %ge3A_84, %broadcast_in_dim3A_86, %select_n3A_79 : vector<256x1024xi1>, vector<256x1024xf32>
      %reduce_max3A_88 = arith.constant dense<0xFF800000> : vector<256xf32>
      %reduce_max3A_89 = vector.multi_reduction <maximumf>, %select_n3A_87, %reduce_max3A_88 [1] : vector<256x1024xf32> to vector<256xf32>
      %broadcast_in_dim3A_90 = vector.shape_cast %reduce_max3A_89 : vector<256xf32> to vector<256x1xf32>
      %ge3A_91 = vector.broadcast %broadcast_in_dim3A_90 : vector<256x1xf32> to vector<256x1024xf32>
      %ge3A_92 = arith.cmpf oge, %select_n3A_87, %ge3A_91 : vector<256x1024xf32>
      %jit3A_93 = arith.constant -3.000000e+09 : f32
      %broadcast_in_dim3A_94 = vector.broadcast %jit3A_93 : f32 to vector<256x1024xf32>
      %select_n3A_95 = arith.select %ge3A_92, %broadcast_in_dim3A_94, %select_n3A_87 : vector<256x1024xi1>, vector<256x1024xf32>
      %reduce_max3A_96 = arith.constant dense<0xFF800000> : vector<256xf32>
      %reduce_max3A_97 = vector.multi_reduction <maximumf>, %select_n3A_95, %reduce_max3A_96 [1] : vector<256x1024xf32> to vector<256xf32>
      %broadcast_in_dim3A_98 = vector.shape_cast %reduce_max3A_97 : vector<256xf32> to vector<256x1xf32>
      %ge3A_99 = vector.broadcast %broadcast_in_dim3A_98 : vector<256x1xf32> to vector<256x1024xf32>
      %ge3A_100 = arith.cmpf oge, %select_n3A_95, %ge3A_99 : vector<256x1024xf32>
      %jit3A_101 = arith.constant -3.000000e+09 : f32
      %broadcast_in_dim3A_102 = vector.broadcast %jit3A_101 : f32 to vector<256x1024xf32>
      %select_n3A_103 = arith.select %ge3A_100, %broadcast_in_dim3A_102, %select_n3A_95 : vector<256x1024xi1>, vector<256x1024xf32>
      %reduce_max3A_104 = arith.constant dense<0xFF800000> : vector<256xf32>
      %reduce_max3A_105 = vector.multi_reduction <maximumf>, %select_n3A_103, %reduce_max3A_104 [1] : vector<256x1024xf32> to vector<256xf32>
      %broadcast_in_dim3A_106 = vector.shape_cast %reduce_max3A_105 : vector<256xf32> to vector<256x1xf32>
      %ge3A_107 = vector.broadcast %broadcast_in_dim3A_106 : vector<256x1xf32> to vector<256x1024xf32>
      %ge3A_108 = arith.cmpf oge, %select_n3A_103, %ge3A_107 : vector<256x1024xf32>
      %jit3A_109 = arith.constant -3.000000e+09 : f32
      %broadcast_in_dim3A_110 = vector.broadcast %jit3A_109 : f32 to vector<256x1024xf32>
      %select_n3A_111 = arith.select %ge3A_108, %broadcast_in_dim3A_110, %select_n3A_103 : vector<256x1024xi1>, vector<256x1024xf32>
      %reduce_max3A_112 = arith.constant dense<0xFF800000> : vector<256xf32>
      %reduce_max3A_113 = vector.multi_reduction <maximumf>, %select_n3A_111, %reduce_max3A_112 [1] : vector<256x1024xf32> to vector<256xf32>
      %broadcast_in_dim3A_114 = vector.shape_cast %reduce_max3A_113 : vector<256xf32> to vector<256x1xf32>
      %ge3A_115 = vector.broadcast %broadcast_in_dim3A_114 : vector<256x1xf32> to vector<256x1024xf32>
      %ge3A_116 = arith.cmpf oge, %select_n3A_111, %ge3A_115 : vector<256x1024xf32>
      %jit3A_117 = arith.constant -3.000000e+09 : f32
      %broadcast_in_dim3A_118 = vector.broadcast %jit3A_117 : f32 to vector<256x1024xf32>
      %select_n3A_119 = arith.select %ge3A_116, %broadcast_in_dim3A_118, %select_n3A_111 : vector<256x1024xi1>, vector<256x1024xf32>
      %reduce_max3A_120 = arith.constant dense<0xFF800000> : vector<256xf32>
      %reduce_max3A_121 = vector.multi_reduction <maximumf>, %select_n3A_119, %reduce_max3A_120 [1] : vector<256x1024xf32> to vector<256xf32>
      %broadcast_in_dim3A_122 = vector.shape_cast %reduce_max3A_121 : vector<256xf32> to vector<256x1xf32>
      %ge3A_123 = vector.broadcast %broadcast_in_dim3A_122 : vector<256x1xf32> to vector<256x1024xf32>
      %ge3A_124 = arith.cmpf oge, %select_n3A_119, %ge3A_123 : vector<256x1024xf32>
      %jit3A_125 = arith.constant -3.000000e+09 : f32
      %broadcast_in_dim3A_126 = vector.broadcast %jit3A_125 : f32 to vector<256x1024xf32>
      %select_n3A_127 = arith.select %ge3A_124, %broadcast_in_dim3A_126, %select_n3A_119 : vector<256x1024xi1>, vector<256x1024xf32>
      %reduce_max3A_128 = arith.constant dense<0xFF800000> : vector<256xf32>
      %reduce_max3A_129 = vector.multi_reduction <maximumf>, %select_n3A_127, %reduce_max3A_128 [1] : vector<256x1024xf32> to vector<256xf32>
      %broadcast_in_dim3A_130 = vector.shape_cast %reduce_max3A_129 : vector<256xf32> to vector<256x1xf32>
      %ge3A_131 = vector.broadcast %broadcast_in_dim3A_130 : vector<256x1xf32> to vector<256x1024xf32>
      %ge3A_132 = arith.cmpf oge, %select_n3A_127, %ge3A_131 : vector<256x1024xf32>
      %jit3A_133 = arith.constant -3.000000e+09 : f32
      %broadcast_in_dim3A_134 = vector.broadcast %jit3A_133 : f32 to vector<256x1024xf32>
      %select_n3A_135 = arith.select %ge3A_132, %broadcast_in_dim3A_134, %select_n3A_127 : vector<256x1024xi1>, vector<256x1024xf32>
      %reduce_max3A_136 = arith.constant dense<0xFF800000> : vector<256xf32>
      %reduce_max3A_137 = vector.multi_reduction <maximumf>, %select_n3A_135, %reduce_max3A_136 [1] : vector<256x1024xf32> to vector<256xf32>
      %broadcast_in_dim3A_138 = vector.shape_cast %reduce_max3A_137 : vector<256xf32> to vector<256x1xf32>
      %ge3A_139 = vector.broadcast %broadcast_in_dim3A_138 : vector<256x1xf32> to vector<256x1024xf32>
      %ge3A_140 = arith.cmpf oge, %select_n3A_135, %ge3A_139 : vector<256x1024xf32>
      %jit3A_141 = arith.constant -3.000000e+09 : f32
      %broadcast_in_dim3A_142 = vector.broadcast %jit3A_141 : f32 to vector<256x1024xf32>
      %select_n3A_143 = arith.select %ge3A_140, %broadcast_in_dim3A_142, %select_n3A_135 : vector<256x1024xi1>, vector<256x1024xf32>
      %reduce_max3A_144 = arith.constant dense<0xFF800000> : vector<256xf32>
      %reduce_max3A_145 = vector.multi_reduction <maximumf>, %select_n3A_143, %reduce_max3A_144 [1] : vector<256x1024xf32> to vector<256xf32>
      %broadcast_in_dim3A_146 = vector.shape_cast %reduce_max3A_145 : vector<256xf32> to vector<256x1xf32>
      %ge3A_147 = vector.broadcast %broadcast_in_dim3A_146 : vector<256x1xf32> to vector<256x1024xf32>
      %ge3A_148 = arith.cmpf oge, %select_n3A_143, %ge3A_147 : vector<256x1024xf32>
      %jit3A_149 = arith.constant -3.000000e+09 : f32
      %broadcast_in_dim3A_150 = vector.broadcast %jit3A_149 : f32 to vector<256x1024xf32>
      %select_n3A_151 = arith.select %ge3A_148, %broadcast_in_dim3A_150, %select_n3A_143 : vector<256x1024xi1>, vector<256x1024xf32>
      %reduce_max3A_152 = arith.constant dense<0xFF800000> : vector<256xf32>
      %reduce_max3A_153 = vector.multi_reduction <maximumf>, %select_n3A_151, %reduce_max3A_152 [1] : vector<256x1024xf32> to vector<256xf32>
      %broadcast_in_dim3A_154 = vector.shape_cast %reduce_max3A_153 : vector<256xf32> to vector<256x1xf32>
      %ge3A_155 = vector.broadcast %broadcast_in_dim3A_154 : vector<256x1xf32> to vector<256x1024xf32>
      %ge3A_156 = arith.cmpf oge, %select_n3A_151, %ge3A_155 : vector<256x1024xf32>
      %jit3A_157 = arith.constant -3.000000e+09 : f32
      %broadcast_in_dim3A_158 = vector.broadcast %jit3A_157 : f32 to vector<256x1024xf32>
      %select_n3A_159 = arith.select %ge3A_156, %broadcast_in_dim3A_158, %select_n3A_151 : vector<256x1024xi1>, vector<256x1024xf32>
      %reduce_max3A_160 = arith.constant dense<0xFF800000> : vector<256xf32>
      %reduce_max3A_161 = vector.multi_reduction <maximumf>, %select_n3A_159, %reduce_max3A_160 [1] : vector<256x1024xf32> to vector<256xf32>
      %broadcast_in_dim3A_162 = vector.shape_cast %reduce_max3A_161 : vector<256xf32> to vector<256x1xf32>
      %ge3A_163 = vector.broadcast %broadcast_in_dim3A_162 : vector<256x1xf32> to vector<256x1024xf32>
      %ge3A_164 = arith.cmpf oge, %select_n3A_159, %ge3A_163 : vector<256x1024xf32>
      %jit3A_165 = arith.constant -3.000000e+09 : f32
      %broadcast_in_dim3A_166 = vector.broadcast %jit3A_165 : f32 to vector<256x1024xf32>
      %select_n3A_167 = arith.select %ge3A_164, %broadcast_in_dim3A_166, %select_n3A_159 : vector<256x1024xi1>, vector<256x1024xf32>
      %reduce_max3A_168 = arith.constant dense<0xFF800000> : vector<256xf32>
      %reduce_max3A_169 = vector.multi_reduction <maximumf>, %select_n3A_167, %reduce_max3A_168 [1] : vector<256x1024xf32> to vector<256xf32>
      %broadcast_in_dim3A_170 = vector.shape_cast %reduce_max3A_169 : vector<256xf32> to vector<256x1xf32>
      %ge3A_171 = vector.broadcast %broadcast_in_dim3A_170 : vector<256x1xf32> to vector<256x1024xf32>
      %ge3A_172 = arith.cmpf oge, %select_n3A_167, %ge3A_171 : vector<256x1024xf32>
      %jit3A_173 = arith.constant -3.000000e+09 : f32
      %broadcast_in_dim3A_174 = vector.broadcast %jit3A_173 : f32 to vector<256x1024xf32>
      %select_n3A_175 = arith.select %ge3A_172, %broadcast_in_dim3A_174, %select_n3A_167 : vector<256x1024xi1>, vector<256x1024xf32>
      %reduce_max3A_176 = arith.constant dense<0xFF800000> : vector<256xf32>
      %reduce_max3A_177 = vector.multi_reduction <maximumf>, %select_n3A_175, %reduce_max3A_176 [1] : vector<256x1024xf32> to vector<256xf32>
      %broadcast_in_dim3A_178 = vector.shape_cast %reduce_max3A_177 : vector<256xf32> to vector<256x1xf32>
      %ge3A_179 = vector.broadcast %broadcast_in_dim3A_178 : vector<256x1xf32> to vector<256x1024xf32>
      %ge3A_180 = arith.cmpf oge, %select_n3A_175, %ge3A_179 : vector<256x1024xf32>
      %jit3A_181 = arith.constant -3.000000e+09 : f32
      %broadcast_in_dim3A_182 = vector.broadcast %jit3A_181 : f32 to vector<256x1024xf32>
      %select_n3A_183 = arith.select %ge3A_180, %broadcast_in_dim3A_182, %select_n3A_175 : vector<256x1024xi1>, vector<256x1024xf32>
      %eq3A_184 = arith.constant -3.000000e+09 : f32
      %eq3A_185 = vector.broadcast %eq3A_184 : f32 to vector<256x1024xf32>
      %eq3A_186 = arith.cmpf oeq, %select_n3A_183, %eq3A_185 : vector<256x1024xf32>
      %jit3A_187 = arith.constant 0.000000e+00 : f32
      %broadcast_in_dim3A_188 = vector.broadcast %jit3A_187 : f32 to vector<256x1024xf32>
      %select_n3A_189 = arith.select %eq3A_186, %dot_general3A_47, %broadcast_in_dim3A_188 : vector<256x1024xi1>, vector<256x1024xf32>
      %reduce_sum3A = arith.constant dense<0.000000e+00> : vector<256xf32>
      %reduce_sum3A_190 = vector.multi_reduction <add>, %select_n3A_189, %reduce_sum3A [1] : vector<256x1024xf32> to vector<256xf32>
      %broadcast_in_dim3A_191 = vector.shape_cast %reduce_sum3A_190 : vector<256xf32> to vector<256x1xf32>
      %add3A_192 = arith.constant 9.99999996E-13 : f32
      %add3A_193 = vector.broadcast %add3A_192 : f32 to vector<256x1xf32>
      %add3A_194 = arith.addf %broadcast_in_dim3A_191, %add3A_193 : vector<256x1xf32>
      %div3A = arith.constant 1.000000e+00 : f32
      %div3A_195 = vector.broadcast %div3A : f32 to vector<256x1xf32>
      %div3A_196 = arith.divf %div3A_195, %add3A_194 : vector<256x1xf32>
      %mul3A_197 = vector.broadcast %div3A_196 : vector<256x1xf32> to vector<256x1024xf32>
      %mul3A_198 = arith.mulf %select_n3A_189, %mul3A_197 : vector<256x1024xf32>
      %swap3A = arith.constant 0 : index
      %swap3A_199 = arith.constant 0 : index
      %swap3A_200 = arith.constant 0 : index
      %swap3A_201 = vector.load %arg3[%swap3A, %swap3A_199, %swap3A_200] : memref<1x256x1024xf32, #tpu.memory_space<vmem>>, vector<1x256x1024xf32>
      %swap3A_202 = vector.shape_cast %swap3A_201 : vector<1x256x1024xf32> to vector<256x1024xf32>
      %swap3A_203 = vector.shape_cast %mul3A_198 : vector<256x1024xf32> to vector<1x256x1024xf32>
      tpu.vector_store %arg3[%swap3A, %swap3A_199, %swap3A_200], %swap3A_203 {strides = array<i32>} : memref<1x256x1024xf32, #tpu.memory_space<vmem>>, vector<1x256x1024xf32>,
    } else {
    }
    return
  }
  func.func @transform_0(%arg0: i32, %arg1: i32) -> (i32, i32, i32, i32) {
    %min3A = arith.constant 3 : i32
    %min3A_0 = arith.minsi %arg0, %min3A : i32
    %c0_i32 = arith.constant 0 : i32
    %c0_i32_1 = arith.constant 0 : i32
    %c0_i32_2 = arith.constant 0 : i32
    %c0_i32_3 = arith.constant 0 : i32
    return %min3A_0, %c0_i32, %c0_i32_1, %c0_i32_2 : i32, i32, i32, i32
  }
  func.func @transform_1(%arg0: i32, %arg1: i32) -> (i32, i32, i32) {
    %sub3A = arith.constant 1 : i32
    %sub3A_0 = arith.subi %arg0, %sub3A : i32
    %max3A = arith.constant 0 : i32
    %max3A_1 = arith.maxsi %sub3A_0, %max3A : i32
    %c0_i32 = arith.constant 0 : i32
    %c0_i32_2 = arith.constant 0 : i32
    return %max3A_1, %arg1, %c0_i32 : i32, i32, i32
  }
}

</mosaic_0001>

<sc_bundles>
// kernel: kernel.4.cloned.1.call-start
scs
__scs_entry_jumppad:
0x0: {  	(pc) =	sbr.rel $0x88, $3  }
0x1: {  	(tag) =	ssettag $0x0;
	lr =	simm.s32 $0x1  }
0x2: {  	[smem:$0x3FA0] =	sst lr;
	_ =	strace $0xD0000000  }
0x3: {  	_ = 	snop  }
0x4: {  	_ = 	snop  }
0x5: {  	_ = 	snop  }
0x6: {  	_ = 	snop  }
0x7: {  	_ = 	snop  }
__scs_overlays_trampoline_lowered:
0x8: {  	[smem:$0x3FAF] =	sst s0  }
0x9: {  	[smem:$0x3FB0] =	sst s1  }
0xa: {  	[smem:$0x3FB1] =	sst s2  }
0xb: {  	[smem:$0x3FB2] =	sst s3  }
0xc: {  	[smem:$0x3FB3] =	sst s4  }
0xd: {  	[smem:$0x3FB4] =	sst s5  }
0xe: {  	[smem:$0x3FB5] =	sst s6  }
0xf: {  	[smem:$0x3FB6] =	sst s7  }
0x10: {  	[smem:$0x3FB7] =	sst s8  }
0x11: {  	[smem:$0x3FB8] =	sst s9;
	s0 =	simm.s32 @!p0 $0x0  }
0x12: {  	s1 =	sld [smem:$0x3F9E];
	s0 =	simm.s32 @p0 $0x1  }
0x13: {  	[smem:$0x3FB9] =	sst s0;
	s0 =	simm.s32 @!p1 $0x0  }
0x14: {  	s2 =	sld [smem:$0x3F9D];
	s0 =	simm.s32 @p1 $0x1  }
0x15: {  	[smem:$0x3FBA] =	sst s0;
	s0 =	simm.s32 @!p2 $0x0  }
0x16: {  	s3 =	sld [smem:$0x3FDB];
	s0 =	simm.s32 @p2 $0x1  }
0x17: {  	s4 =	simm.s32 $0x1BF5;
	[smem:$0x3FBC] =	sst s0  }
0x18: {  	s0 =	sld [smem:$0x3F9F];
	_ =	swait.ge [sflag:s4], $0x0  }
0x19: {  	s7 =	sld [smem:$0x3FA0]  }
0x1a: {  	s8 =	sadd.s32 $0xFFFFE003, lr  }
0x1b: {  	s9 =	sadd.s32 $0xFFFFFEF7, lr;
	s5 =	simm.s32 $0xFFFFFFFF;
	p2 =	slt.u32 s8, $0xFFFFF086  }
0x1c: {  	p1 =	slt.u32 s9, $0xF7A;
	s5 =	simm.s32 @!p2 $0x0  }
0x1d: {  	s5 =	simm.s32 @p1 $0x1;
	p0 =	seq.s32 s7, s2  }
0x1e: {  	s7 =	smul.u32 @!p0 $0xF7A, s2;
	p2 =	seq.s32 @!p0 s5, $0x0  }
0x1f: {  	s9 =	smul.u32 $0xF7A, s1;
	s8 =	simm.s32 @!p0 $0x1BF5;
	p2 =	por !p2, p0  }
0x20: {  	[sflag:s8] =	ssyncset.s32 @!p0 $0xFFFFF086;
	s6 =	sadd.s32 @!p0 s3, s7;
	s7 =	simm.s32 @!p0 $0x108  }
0x21: {  	s3 =	sadd.s32 s3, s9;
	s6 =	sadd.s32 @!p0 $0x88, s6;
	s7 =	simm.s32 @p2 $0x1082  }
0x22: {  	[simem:s7], [sflag:s8] =	dma.local @!p0 [hbm:s6], $0xF7A  }
0x23: {  	s9 =	sor.u32 $0xD0000000, s2;
	s6 =	simm.s32 $0x108;
	_ =	swait.ge @!p0 [sflag:s8], $0x0  }
0x24: {  	s3 =	sadd.s32 $0x88, s3;
	s6 =	simm.s32 @!p1 $0x1082;
	[sflag:s4] =	ssyncset.s32 $0xFFFFF086  }
0x25: {  	[simem:s6], [sflag:s4] =	dma.local [hbm:s3], $0xF7A  }
0x26: {  	[smem:$0x3FA0] =	sst s1;
	(tag) =	ssettag s2;
	_ =	strace s9  }
0x27: {  	s1 =	sld [smem:$0x3FB0]  }
0x28: {  	s2 =	sld [smem:$0x3FB1]  }
0x29: {  	s4 =	sld [smem:$0x3FB3]  }
0x2a: {  	p0 =	seq.s32 s5, $0x0;
	s5 =	sld [smem:$0x3FB4]  }
0x2b: {  	s6 =	sld [smem:$0x3FB5]  }
0x2c: {  	s7 =	sld [smem:$0x3FB6]  }
0x2d: {  	s3 =	simm.s32 $0x108;
	s8 =	sld [smem:$0x3FB7]  }
0x2e: {  	s3 =	simm.s32 @!p0 $0x1082;
	s9 =	sld [smem:$0x3FB8]  }
0x2f: {  	lr =	sadd.s32 s0, s3;
	s0 =	sld [smem:$0x3FAF]  }
0x30: {  	s3 =	sld [smem:$0x3FB2]  }
0x31: {  	[smem:$0x3FBB] =	sst s10  }
0x32: {  	s10 =	sld [smem:$0x3FB9];
	_ =	sdelay $0x3  }
0x33: {  	p0 =	seq.s32 s10, $0x1;
	s10 =	sld [smem:$0x3FBB];
	_ =	sdelay $0x3  }
0x34: {  	[smem:$0x3FBB] =	sst s10  }
0x35: {  	s10 =	sld [smem:$0x3FBA];
	_ =	sdelay $0x3  }
0x36: {  	p1 =	seq.s32 s10, $0x1;
	s10 =	sld [smem:$0x3FBB];
	_ =	sdelay $0x3  }
0x37: {  	[smem:$0x3FBB] =	sst s10  }
0x38: {  	s10 =	sld [smem:$0x3FBC]  }
0x39: {  	_ = 	snop;
	(pc) =	sbr.ind lr, $3  }
0x3a: {  	_ = 	snop  }
0x3b: {  	_ = 	snop  }
0x3c: {  	p2 =	seq.s32 s10, $0x1;
	s10 =	sld [smem:$0x3FBB]  }
0x3d: {  	_ =	shalt  }
0x3e: {  	_ =	shalt  }
0x3f: {  	_ =	shalt  }
0x40: {  	_ =	shalt  }
0x41: {  	_ =	shalt  }
0x42: {  	_ =	shalt  }
0x43: {  	_ =	shalt  }
0x44: {  	_ =	shalt  }
0x45: {  	_ =	shalt  }
0x46: {  	_ =	shalt  }
0x47: {  	_ =	shalt  }
0x48: {  	_ =	shalt  }
0x49: {  	_ =	shalt  }
0x4a: {  	_ =	shalt  }
0x4b: {  	_ =	shalt  }
0x4c: {  	_ =	shalt  }
0x4d: {  	_ =	shalt  }
0x4e: {  	_ =	shalt  }
0x4f: {  	_ =	shalt  }
0x50: {  	_ =	shalt  }
0x51: {  	_ =	shalt  }
0x52: {  	_ =	shalt  }
0x53: {  	_ =	shalt  }
0x54: {  	_ =	shalt  }
0x55: {  	_ =	shalt  }
0x56: {  	_ =	shalt  }
0x57: {  	_ =	shalt  }
0x58: {  	_ =	shalt  }
0x59: {  	_ =	shalt  }
0x5a: {  	_ =	shalt  }
0x5b: {  	_ =	shalt  }
0x5c: {  	_ =	shalt  }
0x5d: {  	_ =	shalt  }
0x5e: {  	_ =	shalt  }
0x5f: {  	_ =	shalt  }
0x60: {  	_ =	shalt  }
0x61: {  	_ =	shalt  }
0x62: {  	_ =	shalt  }
0x63: {  	_ =	shalt  }
0x64: {  	_ =	shalt  }
0x65: {  	_ =	shalt  }
0x66: {  	_ =	shalt  }
0x67: {  	_ =	shalt  }
0x68: {  	_ =	shalt  }
0x69: {  	_ =	shalt  }
0x6a: {  	_ =	shalt  }
0x6b: {  	_ =	shalt  }
0x6c: {  	_ =	shalt  }
0x6d: {  	_ =	shalt  }
0x6e: {  	_ =	shalt  }
0x6f: {  	_ =	shalt  }
0x70: {  	_ =	shalt  }
0x71: {  	_ =	shalt  }
0x72: {  	_ =	shalt  }
0x73: {  	_ =	shalt  }
0x74: {  	_ =	shalt  }
0x75: {  	_ =	shalt  }
0x76: {  	_ =	shalt  }
0x77: {  	_ =	shalt  }
0x78: {  	_ =	shalt  }
0x79: {  	_ =	shalt  }
0x7a: {  	_ =	shalt  }
0x7b: {  	_ =	shalt  }
0x7c: {  	_ =	shalt  }
0x7d: {  	_ =	shalt  }
0x7e: {  	_ =	shalt  }
0x7f: {  	_ =	shalt  }
0x80: {  	_ =	shalt  }
0x81: {  	_ =	shalt  }
0x82: {  	_ =	shalt  }
0x83: {  	_ =	shalt  }
0x84: {  	_ =	shalt  }
0x85: {  	_ =	shalt  }
0x86: {  	_ =	shalt  }
0x87: {  	_ =	shalt  }
.Lfunc_end0:
.L_simem_size_0:
called_computation_lowered:
.L_overlay_start_0:
0x88: {  	s2 =	sld [smem:$0x3FD9]  }
0x89: {  	s3 =	sld [smem:$0x3FFE];
	_ =	sdelay $0x1  }
0x8a: {  	s1 =	srdreg.scid  }
0x8b: {  	s0 =	sand.u32 $0x1, s1  }
0x8c: {  	s16 =	sshll.u32 s0, $0xA;
	s2 =	sadd.s32 s3, s2  }
0x8d: {  	s2 =	sadd.s32 s2, s16  }
0x8e: {  	[smem:$0x3FC7] =	sst s2  }
0x8f: {  	_ = 	snop  }
0x90: {  	(tm) =	ssettm $0x1  }
0x91: {  	s17 =	sld [smem:$0x3FFB];
	_ =	sdelay $0x3  }
0x92: {  	_ =	strace s17  }
0x93: {  	s2 =	sld [smem:$0x3FFC];
	_ =	sdelay $0x3  }
0x94: {  	_ =	strace s2  }
0x95: {  	s2 =	sld [smem:$0x3FFD];
	_ =	sdelay $0x3  }
0x96: {  	_ =	strace s2  }
0x97: {  	_ =	strace $0x8FFFFFFF  }
0x98: {  	s18 =	sld [smem:$0x3FDB];
	_ =	sdelay $0x1  }
0x99: {  	s19 =	simm.s32 $_scs_section_size  }
0x9a: {  	s4 =	simm.s32 $_size__tile_overlayer_lowered;
	s5 =	simm.s32 $_tile_overlayer_lowered  }
0x9b: {  	s22 =	simm.s32 $0x1BFF;
	s21 =	sshll.u32 s5, $0x1;
	s2 =	sadd.s32 s19, s18  }
0x9c: {  	s6 =	simm.s32 $0x0;
	s20 =	sshll.u32 s4, $0x1;
	s4 =	sadd.s32 s21, s2  }
0x9d: {  	[timem:s6], [sflag:s22] =	dma.local [hbm:s4], s20  }
0x9e: {  	_ =	swait.ge [sflag:s22], s20  }
0x9f: {  	s3 =	ssub.s32 $0x0, s20;
	[sflag:s22] =	ssyncset.done $0x0  }
0xa0: {  	[sflag:s22] =	ssyncadd.s32 s3;
	_ =	sdelay $0x1  }
0xa1: {  	s23 =	simm.s32 $0x1B8B  }
0xa2: {  	_ =	swait.ge [sflag:s23], $0x1  }
0xa3: {  	[sflag:s23] =	ssyncset.done $0x0  }
0xa4: {  	s25 =	simm.s32 $0x1B8E;
	s24 =	sld [smem:$0x3FFE];
	[sflag:s23] =	ssyncadd.s32 $0xFFFFFFFF  }
0xa5: {  	s26 =	simm.s32 $execute0_lowered;
	[smem:$0x3FD2] =	sst s25  }
0xa6: {  	s4 =	sshll.u32 s26, $0x1;
	_ =	strace $0x80000046;
	[dreg:$0x1] =	wrdreg $0xFFFFFFFF  }
0xa7: {  	s28 =	simm.s32 $_size_execute0_lowered;
	s2 =	sadd.s32 s2, s4;
	[dreg:$0x0] =	wrdreg $0x0  }
0xa8: {  	s4 =	sshll.u32 s28, $0x1;
	[dreg:$0x2] =	wrdreg s2  }
0xa9: {  	[dreg:$0x3] =	wrdreg s4  }
0xaa: {  	[dreg:$0x4] =	wrdreg $0xC0  }
0xab: {  	_ =	task [dreg:s6], $0x5FFFF  }
0xac: {  	[dreg:$0x1] =	wrdreg $0xFFFFFFFF  }
0xad: {  	[dreg:$0x0] =	wrdreg $0x60  }
0xae: {  	[dreg:$0x2] =	wrdreg s24  }
0xaf: {  	[dreg:$0x3] =	wrdreg $0x9  }
0xb0: {  	_ =	task.clear_ibuf [dreg:s6], $0x4FFFF;
	_ =	strace $0x90000046  }
0xb1: {  	s29 =	simm.s32 $0x9;
	_ =	strace $0x80000048  }
0xb2: {  	_ =	swait.ge [sflag:s29], $0x1  }
0xb3: {  	[sflag:s29] =	ssyncadd.s32 $0xFFFFFFFF  }
0xb4: {  	_ =	strace $0x90000048  }
0xb5: {  	_ =	sfence  }
0xb6: {  	s30 =	sld [smem:$0x0];
	_ =	sdelay $0x2  }
0xb7: {  	s31 =	sshll.u32 s1, $0xD;
	s1 =	sshrl.u32 s1, $0x2  }
0xb8: {  	s3 =	sand.u32 $0x4000, s31;
	s1 =	sadd.s32 s1, s30  }
0xb9: {  	s0 =	sor.u32 s3, s0;
	s1 =	sshll.u32 s1, $0x11  }
0xba: {  	s0 =	sor.u32 s1, s0  }
0xbb: {  	s0 =	sadd.s32 $0x8F2B, s0  }
0xbc: {  	[sflag:s0] =	ssyncadd.remote.s32 $0x1  }
0xbd: {  	_ =	sfence.sel $0xFFFF  }
0xbe: {  	[dreg:$0x0] =	wrdreg $0xFFFFFFFF;
	(pc) =	sbr.abs _section_cstart, $3  }
0xbf: {  	[dreg:$0x1] =	wrdreg $0xFFFFFFFF  }
0xc0: {  	_ =	task.clear_ibuf [dreg:s6], $0x2FFFF;
	_ =	strace $0x9FFFFFFF  }
0xc1: {  	(tm) =	ssettm $0x7FFFFFFF  }
tec
execute0_lowered:
.L_overlay_start_1:
0x0: {  	(tag) =	ssettag $0x1  }
0x1: {  	s1 =	srdreg.scid;
	s0 =	stileid.u32  }
0x2: {  	s2 =	sand.u32 $0x1, s1;
	s3 =	smul.u32 $0xC0000, s0  }
0x3: {  	s4 =	rddreg [dreg:$0x0];
	s5 =	smul.u32 $0x60000, s2  }
0x4: {  	s1 =	rddreg [dreg:$0x1];
	s6 =	ssub.s32 $0x2, s2  }
0x5: {  	s2 =	simm.s32 $0x0;
	s31 =	sshrl.u32 s6, $0x1;
	s3 =	sadd.s32 s5, s3  }
0x6: {  	[smem:$0x7FF] =	sst s2;
	s5 =	ssub.s32 s6, s31;
	s3 =	sshrl.u32 s3, $0x3  }
0x7: {  	_ =	strace $0x80000047;
	s6 =	simm.s32 $0x0;
	s4 =	sadd.s32 s3, s4  }
0x8: {  	v0 =	vimm.f32 $0.0e+00;
	s3 =	smax.u32 s5, $0x1;
	s5 =	simm.s32 $0x1;
	s4 =	sadd.s32 $0x400, s4  }
.LBB2_1:
0x9: {  	s7 =	simm.s32 $0x0  }
.LBB2_2:
0xa: {  	p0 =	sne.s32 s7, $0xFFC0  }
.Ltmp0:
0xb: {  	_ = 	snop;
	(pc) =	sbr.rel @p0 .LBB2_2-.Ltmp0, $3  }
0xc: {  	_ =	sdelay $0x1  }
0xd: {  	s8 =	sshra.s32 s7, $0x2  }
0xe: {  	s7 =	sadd.s32 $0x40, s7;
	[tilespmem:s8+$0x0] =	vst v0  }
0xf: {  	s7 =	sadd.s32 $0x0, s4  }
0x10: {  	[hbm4b:s7+s2] =	stream.linear.scatter [tilespmem:s2], [sflag:$0x1], $0x4000, $0x38;
	[tilespmem:$0x4000] =	vst v63  }
0x11: {  	_ =	swait.ge [sflag:s5], $0x4000  }
0x12: {  	s7 =	simm.s32 $0x800;
	[sflag:s5] =	ssyncset.done $0x0  }
.LBB2_4:
0x13: {  	s8 =	sadd.s32 s7, s4;
	[sflag:s5] =	ssyncadd.s32 $0xFFFFC000;
	p0 =	sne.s32 s7, $0xB800  }
0x14: {  	[hbm4b:s8+s2] =	stream.linear.scatter [tilespmem:s2], [sflag:$0x1], $0x4000, $0x38;
	[tilespmem:$0x4000] =	vst v63  }
.Ltmp1:
0x15: {  	_ = 	snop;
	(pc) =	sbr.rel @p0 .LBB2_4-.Ltmp1, $4  }
0x16: {  	_ = 	snop  }
0x17: {  	s7 =	sadd.s32 $0x800, s7  }
0x18: {  	_ =	swait.ge [sflag:s5], $0x4000  }
0x19: {  	[sflag:s5] =	ssyncset.done $0x0  }
0x1a: {  	s6 =	sadd.s32 $0x1, s6  }
0x1b: {  	p0 =	sne.s32 s6, s3  }
.Ltmp2:
0x1c: {  	_ = 	snop;
	(pc) =	sbr.rel @p0 .LBB2_1-.Ltmp2, $2  }
0x1d: {  	_ =	sdelay $0x2  }
0x1e: {  	[sflag:s5] =	ssyncadd.s32 $0xFFFFC000  }
0x1f: {  	_ =	sfence.sel $0x180000  }
0x20: {  	[bflag:$0x0] =	sbarrier.arrive $0xFFFF  }
0x21: {  	p0 =	sne.s32 s0, $0x0;
	_ =	strace $0x90000047  }
0x22: {  	s0 =	sadd.s32 @!p0 $0x100000, s1;
	[bflag:$0x2] =	sbarrier.arrive $0xFFFF  }
0x23: {  	[sflag:s0] =	ssyncadd.tile.s32 @!p0 $0x1;
	_ =	shalt  }
.Lfunc_end2:
_tile_overlayer_lowered:
.L_overlay_start_2:
0x24: {  	(tag) =	ssettag $0x2  }
0x25: {  	s0 =	rddreg [dreg:$0x0];
	s2 =	stileid.u32  }
0x26: {  	s1 =	rddreg [dreg:$0x1];
	p0 =	sne.s32 s2, $0x0  }
0x27: {  	s3 =	rddreg [dreg:$0x2];
	[bflag:$0x3] =	sbarrier.arrive $0xFFFF;
	s2 =	simm.s32 @!p0 $0x1C01  }
0x28: {  	[timem:s3], [sflag:s2] =	dma.local @!p0 [hbm:s0], s1  }
0x29: {  	s0 =	simm.s32 @!p0 $0x1  }
0x2a: {  	_ =	swait.ge @!p0 [sflag:s0], s1  }
0x2b: {  	s1 =	ssub.s32 @!p0 $0x0, s1;
	[sflag:s0] =	ssyncset.done @!p0 $0x0  }
0x2c: {  	[sflag:s0] =	ssyncadd.s32 @!p0 s1  }
0x2d: {  	[bflag:$0x3] =	sbarrier.arrive $0xFFFF  }
0x2e: {  	_ =	shalt  }

</sc_bundles>
